<compile_context>
chip_gen: v7x
topology: tpu7x:2x2x1
jax: 0.10.2.dev20260603
libtpu: 0.0.44.dev20260713+nightly
codegen_flags: <defaults>
</compile_context>

<pallas_src>
import functools

import jax
import jax.numpy as jnp
from jax import lax
from jax.experimental import pallas as pl
from jax.experimental.pallas import tpu as pltpu
from jax.experimental.pallas import tpu_sc as plsc


B, C_IN, N = 4, 384, 576
D, K = 64, 512

TOTAL = B * N
NC, NS = 1, 16
NW = NC * NS
PER_W = TOTAL // NW
L = 16



def _vq_tc_body(z_ref, w_ref, emb_ref, md_ref, mi_ref, zn_ref, en_ref):
    emb = emb_ref[...]
    emb_sq = jnp.sum(emb * emb, axis=1, keepdims=True)
    en_ref[...] = jnp.sqrt(emb_sq)
    iota_k = lax.broadcasted_iota(jnp.int32, (K, N), 0)
    ze = jnp.dot(w_ref[...], z_ref[0],
                 preferred_element_type=jnp.float32)
    g = jnp.dot(emb, ze, preferred_element_type=jnp.float32,
                precision=lax.Precision.HIGHEST)
    s = emb_sq - 2.0 * g
    s_min = jnp.min(s, axis=0, keepdims=True)
    ind = jnp.min(jnp.where(s == s_min, iota_k, K), axis=0,
                  keepdims=True)
    ze_sq = jnp.sum(ze * ze, axis=0, keepdims=True)
    md_ref[0] = s_min + ze_sq
    mi_ref[0] = ind
    zn_ref[0] = jnp.sqrt(ze_sq)


def _vq_tc(z_bf, W_bf, emb):
    md, mi, zn, en = pl.pallas_call(
        _vq_tc_body,
        grid=(B,),
        in_specs=[
            pl.BlockSpec((1, C_IN, N), lambda b: (b, 0, 0)),
            pl.BlockSpec((D, C_IN), lambda b: (0, 0)),
            pl.BlockSpec((K, D), lambda b: (0, 0)),
        ],
        out_specs=[
            pl.BlockSpec((1, 1, N), lambda b: (b, 0, 0)),
            pl.BlockSpec((1, 1, N), lambda b: (b, 0, 0)),
            pl.BlockSpec((1, 1, N), lambda b: (b, 0, 0)),
            pl.BlockSpec((K, 1), lambda b: (0, 0)),
        ],
        out_shape=[
            jax.ShapeDtypeStruct((B, 1, N), jnp.float32),
            jax.ShapeDtypeStruct((B, 1, N), jnp.int32),
            jax.ShapeDtypeStruct((B, 1, N), jnp.float32),
            jax.ShapeDtypeStruct((K, 1), jnp.float32),
        ],
    )(z_bf, W_bf, emb)
    return md.reshape(B, N), mi.reshape(B, N), zn.reshape(B, N), en



@functools.lru_cache(maxsize=None)
def _make_sc_gather_hist():
    return functools.partial(
        pl.kernel,
        mesh=plsc.VectorSubcoreMesh(core_axis_name="c", subcore_axis_name="s",
                                    num_cores=1),
        out_type=[
            jax.ShapeDtypeStruct((TOTAL, D), jnp.float32),
            jax.ShapeDtypeStruct((NC, K), jnp.float32),
        ],
        scratch_types=[
            pltpu.VMEM((PER_W,), jnp.int32),
            pltpu.VMEM((PER_W, D), jnp.float32),
            pltpu.VMEM((PER_W,), jnp.float32),
            pltpu.VMEM((K,), jnp.float32),
            pltpu.VMEM_SHARED((K,), jnp.float32),
            pltpu.SemaphoreType.DMA,
        ],
        compiler_params=pltpu.CompilerParams(use_tc_tiling_on_sc=False),
    )(_sc_gather_hist_body)


def _sc_gather_hist_body(idx_hbm, emb_hbm, zq_hbm, hist_hbm,
                         idx_v, rows_v, ones_v, stage_v, shared_hist, sem):
    cid = lax.axis_index("c")
    sid = lax.axis_index("s")
    wid = sid * NC + cid
    base = wid * PER_W
    pltpu.sync_copy(idx_hbm.at[pl.ds(base, PER_W)], idx_v)
    gather = pltpu.async_copy(emb_hbm.at[idx_v], rows_v, sem)
    _offs = list(range(0, (PER_W // L) * L, L))
    if PER_W % L:
        _offs.append(PER_W - L)
    for off in _offs:
        ones_v[pl.ds(off, L)] = jnp.ones((L,), jnp.float32)
    @pl.when(sid == 0)
    def _zero_hist():
        for i in range(K // L):
            stage_v[pl.ds(i * L, L)] = jnp.zeros((L,), jnp.float32)
        pltpu.sync_copy(stage_v, shared_hist)
    plsc.subcore_barrier()
    pltpu.sync_copy(ones_v, shared_hist.at[idx_v], add=True)
    gather.wait()
    pltpu.sync_copy(rows_v, zq_hbm.at[pl.ds(base, PER_W)])
    plsc.subcore_barrier()
    @pl.when(sid == 0)
    def _write_hist():
        pltpu.sync_copy(shared_hist, hist_hbm.at[cid])



def kernel(z, W, emb):
    z_bf = z.astype(jnp.bfloat16)
    W_bf = W.astype(jnp.bfloat16)
    min_dist, min_ind, ze_norm, emb_norm = _vq_tc(z_bf, W_bf, emb)
    zq_rows, hist2 = _make_sc_gather_hist()(min_ind.reshape(TOTAL), emb)
    zq = jnp.transpose(zq_rows.reshape(B, N, D), (0, 2, 1))
    ind_hist = hist2[0]
    return zq, min_dist, ind_hist, ze_norm, emb_norm.reshape(K)

# --- scband reference (transcript-rebuilt; emitter-appended) ---
"""Pipeline reference for scband-vq-16243566313849 (READ-ONLY COPY).

The authoritative reference and input builder live on the scoring server;
editing this copy changes nothing except your own understanding.
"""

import jax, jax.numpy as jnp
import numpy as np

B, C_IN, N = 4, 384, 576
D, K = 64, 512

def setup_inputs(seed: int = 0) -> dict:
    key = jax.random.key(seed)
    k1, k2, k3 = jax.random.split(key, 3)
    z = jax.random.normal(k1, (B, C_IN, N), dtype=jnp.float32)
    # xavier_uniform for 1x1 conv weight (D, C_IN): fan_in=C_IN, fan_out=D
    lim_w = float(np.sqrt(6.0 / (C_IN + D)))
    W = jax.random.uniform(k2, (D, C_IN), minval=-lim_w, maxval=lim_w, dtype=jnp.float32)
    # xavier_uniform for emb (K, D)
    lim_e = float(np.sqrt(6.0 / (K + D)))
    emb = jax.random.uniform(k3, (K, D), minval=-lim_e, maxval=lim_e, dtype=jnp.float32)
    return {"z": z, "W": W, "emb": emb}

def reference(z, W, emb):
    # ze = Conv1d(n_in, d, kernel=1, bias=False)(z)  -> (B, Q, N)
    ze = jnp.einsum('dc,bcn->bdn', W, z)
    sg_emb = jax.lax.stop_gradient(emb)  # (K, Q)
    # l2norm_sq: ((ze[:,None,:,:] - emb[None,:,:,None])**2).sum(dim=2) -> (B, K, N)
    diff = ze[:, None, :, :] - sg_emb[None, :, :, None]
    l2norm_sq = (diff ** 2).sum(axis=2)
    min_dist = jnp.min(l2norm_sq, axis=1)        # (B, N)
    min_ind = jnp.argmin(l2norm_sq, axis=1)      # (B, N)
    # gather_md(sg_emb, 0, min_ind) -> (Q, B, N); .permute(1,0,2) -> (B, Q, N)
    zq = jnp.transpose(sg_emb[min_ind], (0, 2, 1))  # (B, Q, N)
    # ReplaceGrad: forward = zq, backward grads routed to ze
    zq_rg = ze + jax.lax.stop_gradient(zq - ze)
    # int_hist(min_ind, accu=ind_hist) side effect (buffer starts at zeros)
    ind_hist = jnp.bincount(min_ind.reshape(-1), length=K).astype(jnp.float32)
    ze_norm = jnp.sqrt((ze ** 2).sum(axis=1))   # (B, N)
    emb_norm = jnp.sqrt((emb ** 2).sum(axis=1)) # (K,)
    return zq_rg, min_dist, ind_hist, ze_norm, emb_norm

if __name__ == "__main__":
    import jax
    _d = setup_inputs()
    print(jax.jit(kernel)(*tuple(_d.values())))

</pallas_src>

<mosaic_0001>
#map = affine_map<(d0, d1) -> (0)>
#map1 = affine_map<(d0, d1) -> (0, 0)>
module attributes {stable_mosaic.version = 14 : i64} {
  func.func @_sc_gather_hist_body(%arg0: i32, %arg1: i32, %arg2: memref<2304xi32, #tpu.memory_space<hbm>>, %arg3: memref<512x64xf32, #tpu.memory_space<hbm>>, %arg4: memref<2304x64xf32, #tpu.memory_space<hbm>>, %arg5: memref<1x512xf32, #tpu.memory_space<hbm>>, %arg6: memref<144xi32, #tpu.memory_space<vmem>>, %arg7: memref<144x64xf32, #tpu.memory_space<vmem>>, %arg8: memref<144xf32, #tpu.memory_space<vmem>>, %arg9: memref<512xf32, #tpu.memory_space<vmem>>, %arg10: memref<512xf32, #tpu.memory_space<vmem_shared>>, %arg11: memref<!tpu.dma_semaphore, #tpu.memory_space<semaphore_mem>>) attributes {dimension_semantics = [#tpu.dimension_semantics<core_parallel>, #tpu.dimension_semantics<subcore_parallel>], iteration_bounds = array<i64: 1, 16>, scalar_prefetch = 0 : i64, scratch_operands = 6 : i64, tpu.core_type = #tpu.core_type<sc_vector_subcore>, window_params = [{transform_indices = #map}, {transform_indices = #map1}, {transform_indices = #map1}, {transform_indices = #map1}]} {
    %mul3A = arith.constant 1 : i32
    %mul3A_0 = arith.muli %arg1, %mul3A : i32
    %add3A = arith.addi %mul3A_0, %arg0 : i32
    %mul3A_1 = arith.constant 144 : i32
    %mul3A_2 = arith.muli %add3A, %mul3A_1 : i32
    "tpu.region"() ({
      %run_scoped3A = tpu.sem_alloc : memref<!tpu.dma_semaphore, #tpu.memory_space<semaphore_mem>>
      %dma_start3A_67 = tpu.memref_slice %arg2[%mul3A_2] : memref<2304xi32, #tpu.memory_space<hbm>> -> memref<144xi32, #tpu.memory_space<hbm>>
      %dma_start3A_68 = tpu.memref_slice %arg2[%mul3A_2] : memref<2304xi32, #tpu.memory_space<hbm>> -> memref<144xi32, #tpu.memory_space<hbm>>
      tpu.enqueue_dma source(%dma_start3A_68 : memref<144xi32, #tpu.memory_space<hbm>>) target(%arg6 : memref<144xi32, #tpu.memory_space<vmem>>) target_semaphore(%run_scoped3A : memref<!tpu.dma_semaphore, #tpu.memory_space<semaphore_mem>>)
      %dma_wait3A_69 = tpu.memref_slice %arg2[%mul3A_2] : memref<2304xi32, #tpu.memory_space<hbm>> -> memref<144xi32, #tpu.memory_space<hbm>>
      %dma_wait3A_70 = tpu.memref_slice %arg2[%mul3A_2] : memref<2304xi32, #tpu.memory_space<hbm>> -> memref<144xi32, #tpu.memory_space<hbm>>
      tpu.wait_dma2 semaphore(%run_scoped3A : memref<!tpu.dma_semaphore, #tpu.memory_space<semaphore_mem>>) src(%dma_wait3A_70 : memref<144xi32, #tpu.memory_space<hbm>>) dst(%arg6 : memref<144xi32, #tpu.memory_space<vmem>>)
      tpu.yield
    }) : () -> ()
    %dma_start3A = arith.constant 0 : i32
    %dma_start3A_3 = arith.constant 0 : i32
    %dma_start3A_4 = tpu.memref_slice %arg3[%dma_start3A, %dma_start3A_3] : memref<512x64xf32, #tpu.memory_space<hbm>> -> memref<512x64xf32, #tpu.memory_space<hbm>>
    tpu.enqueue_indirect_dma source(%dma_start3A_4 : memref<512x64xf32, #tpu.memory_space<hbm>>) target(%arg7 : memref<144x64xf32, #tpu.memory_space<vmem>>) offsets(%arg6 : memref<144xi32, #tpu.memory_space<vmem>>) semaphore(%arg11 : memref<!tpu.dma_semaphore, #tpu.memory_space<semaphore_mem>>)
    %broadcast_in_dim3A = arith.constant 1.000000e+00 : f32
    %broadcast_in_dim3A_5 = vector.broadcast %broadcast_in_dim3A : f32 to vector<16xf32>
    %swap3A = arith.constant 0 : index
    %swap3A_6 = tpu.vector_load %arg8[%swap3A] {strides = array<i32>} : memref<144xf32, #tpu.memory_space<vmem>>, vector<16xf32>,
    %swap3A_7 = vector.shape_cast %swap3A_6 : vector<16xf32> to vector<16xf32>
    %swap3A_8 = vector.shape_cast %broadcast_in_dim3A_5 : vector<16xf32> to vector<16xf32>
    tpu.vector_store %arg8[%swap3A], %swap3A_8 {strides = array<i32>} : memref<144xf32, #tpu.memory_space<vmem>>, vector<16xf32>,
    %broadcast_in_dim3A_9 = arith.constant 1.000000e+00 : f32
    %broadcast_in_dim3A_10 = vector.broadcast %broadcast_in_dim3A_9 : f32 to vector<16xf32>
    %swap3A_11 = arith.constant 16 : index
    %swap3A_12 = tpu.vector_load %arg8[%swap3A_11] {strides = array<i32>} : memref<144xf32, #tpu.memory_space<vmem>>, vector<16xf32>,
    %swap3A_13 = vector.shape_cast %swap3A_12 : vector<16xf32> to vector<16xf32>
    %swap3A_14 = vector.shape_cast %broadcast_in_dim3A_10 : vector<16xf32> to vector<16xf32>
    tpu.vector_store %arg8[%swap3A_11], %swap3A_14 {strides = array<i32>} : memref<144xf32, #tpu.memory_space<vmem>>, vector<16xf32>,
    %broadcast_in_dim3A_15 = arith.constant 1.000000e+00 : f32
    %broadcast_in_dim3A_16 = vector.broadcast %broadcast_in_dim3A_15 : f32 to vector<16xf32>
    %swap3A_17 = arith.constant 32 : index
    %swap3A_18 = tpu.vector_load %arg8[%swap3A_17] {strides = array<i32>} : memref<144xf32, #tpu.memory_space<vmem>>, vector<16xf32>,
    %swap3A_19 = vector.shape_cast %swap3A_18 : vector<16xf32> to vector<16xf32>
    %swap3A_20 = vector.shape_cast %broadcast_in_dim3A_16 : vector<16xf32> to vector<16xf32>
    tpu.vector_store %arg8[%swap3A_17], %swap3A_20 {strides = array<i32>} : memref<144xf32, #tpu.memory_space<vmem>>, vector<16xf32>,
    %broadcast_in_dim3A_21 = arith.constant 1.000000e+00 : f32
    %broadcast_in_dim3A_22 = vector.broadcast %broadcast_in_dim3A_21 : f32 to vector<16xf32>
    %swap3A_23 = arith.constant 48 : index
    %swap3A_24 = tpu.vector_load %arg8[%swap3A_23] {strides = array<i32>} : memref<144xf32, #tpu.memory_space<vmem>>, vector<16xf32>,
    %swap3A_25 = vector.shape_cast %swap3A_24 : vector<16xf32> to vector<16xf32>
    %swap3A_26 = vector.shape_cast %broadcast_in_dim3A_22 : vector<16xf32> to vector<16xf32>
    tpu.vector_store %arg8[%swap3A_23], %swap3A_26 {strides = array<i32>} : memref<144xf32, #tpu.memory_space<vmem>>, vector<16xf32>,
    %broadcast_in_dim3A_27 = arith.constant 1.000000e+00 : f32
    %broadcast_in_dim3A_28 = vector.broadcast %broadcast_in_dim3A_27 : f32 to vector<16xf32>
    %swap3A_29 = arith.constant 64 : index
    %swap3A_30 = tpu.vector_load %arg8[%swap3A_29] {strides = array<i32>} : memref<144xf32, #tpu.memory_space<vmem>>, vector<16xf32>,
    %swap3A_31 = vector.shape_cast %swap3A_30 : vector<16xf32> to vector<16xf32>
    %swap3A_32 = vector.shape_cast %broadcast_in_dim3A_28 : vector<16xf32> to vector<16xf32>
    tpu.vector_store %arg8[%swap3A_29], %swap3A_32 {strides = array<i32>} : memref<144xf32, #tpu.memory_space<vmem>>, vector<16xf32>,
    %broadcast_in_dim3A_33 = arith.constant 1.000000e+00 : f32
    %broadcast_in_dim3A_34 = vector.broadcast %broadcast_in_dim3A_33 : f32 to vector<16xf32>
    %swap3A_35 = arith.constant 80 : index
    %swap3A_36 = tpu.vector_load %arg8[%swap3A_35] {strides = array<i32>} : memref<144xf32, #tpu.memory_space<vmem>>, vector<16xf32>,
    %swap3A_37 = vector.shape_cast %swap3A_36 : vector<16xf32> to vector<16xf32>
    %swap3A_38 = vector.shape_cast %broadcast_in_dim3A_34 : vector<16xf32> to vector<16xf32>
    tpu.vector_store %arg8[%swap3A_35], %swap3A_38 {strides = array<i32>} : memref<144xf32, #tpu.memory_space<vmem>>, vector<16xf32>,
    %broadcast_in_dim3A_39 = arith.constant 1.000000e+00 : f32
    %broadcast_in_dim3A_40 = vector.broadcast %broadcast_in_dim3A_39 : f32 to vector<16xf32>
    %swap3A_41 = arith.constant 96 : index
    %swap3A_42 = tpu.vector_load %arg8[%swap3A_41] {strides = array<i32>} : memref<144xf32, #tpu.memory_space<vmem>>, vector<16xf32>,
    %swap3A_43 = vector.shape_cast %swap3A_42 : vector<16xf32> to vector<16xf32>
    %swap3A_44 = vector.shape_cast %broadcast_in_dim3A_40 : vector<16xf32> to vector<16xf32>
    tpu.vector_store %arg8[%swap3A_41], %swap3A_44 {strides = array<i32>} : memref<144xf32, #tpu.memory_space<vmem>>, vector<16xf32>,
    %broadcast_in_dim3A_45 = arith.constant 1.000000e+00 : f32
    %broadcast_in_dim3A_46 = vector.broadcast %broadcast_in_dim3A_45 : f32 to vector<16xf32>
    %swap3A_47 = arith.constant 112 : index
    %swap3A_48 = tpu.vector_load %arg8[%swap3A_47] {strides = array<i32>} : memref<144xf32, #tpu.memory_space<vmem>>, vector<16xf32>,
    %swap3A_49 = vector.shape_cast %swap3A_48 : vector<16xf32> to vector<16xf32>
    %swap3A_50 = vector.shape_cast %broadcast_in_dim3A_46 : vector<16xf32> to vector<16xf32>
    tpu.vector_store %arg8[%swap3A_47], %swap3A_50 {strides = array<i32>} : memref<144xf32, #tpu.memory_space<vmem>>, vector<16xf32>,
    %broadcast_in_dim3A_51 = arith.constant 1.000000e+00 : f32
    %broadcast_in_dim3A_52 = vector.broadcast %broadcast_in_dim3A_51 : f32 to vector<16xf32>
    %swap3A_53 = arith.constant 128 : index
    %swap3A_54 = tpu.vector_load %arg8[%swap3A_53] {strides = array<i32>} : memref<144xf32, #tpu.memory_space<vmem>>, vector<16xf32>,
    %swap3A_55 = vector.shape_cast %swap3A_54 : vector<16xf32> to vector<16xf32>
    %swap3A_56 = vector.shape_cast %broadcast_in_dim3A_52 : vector<16xf32> to vector<16xf32>
    tpu.vector_store %arg8[%swap3A_53], %swap3A_56 {strides = array<i32>} : memref<144xf32, #tpu.memory_space<vmem>>, vector<16xf32>,
    %eq3A = arith.constant 0 : i32
    %eq3A_57 = arith.cmpi eq, %arg1, %eq3A : i32
    %convert_element_type3A = arith.extui %eq3A_57 : i1 to i32
    %cond3A = arith.constant 0 : i32
    %cond3A_58 = arith.cmpi ne, %convert_element_type3A, %cond3A : i32
    scf.if %cond3A_58 {
      %broadcast_in_dim3A_67 = arith.constant 0.000000e+00 : f32
      %broadcast_in_dim3A_68 = vector.broadcast %broadcast_in_dim3A_67 : f32 to vector<16xf32>
      %swap3A_69 = arith.constant 0 : index
      %swap3A_70 = tpu.vector_load %arg9[%swap3A_69] {strides = array<i32>} : memref<512xf32, #tpu.memory_space<vmem>>, vector<16xf32>,
      %swap3A_71 = vector.shape_cast %swap3A_70 : vector<16xf32> to vector<16xf32>
      %swap3A_72 = vector.shape_cast %broadcast_in_dim3A_68 : vector<16xf32> to vector<16xf32>
      tpu.vector_store %arg9[%swap3A_69], %swap3A_72 {strides = array<i32>} : memref<512xf32, #tpu.memory_space<vmem>>, vector<16xf32>,
      %broadcast_in_dim3A_73 = arith.constant 0.000000e+00 : f32
      %broadcast_in_dim3A_74 = vector.broadcast %broadcast_in_dim3A_73 : f32 to vector<16xf32>
      %swap3A_75 = arith.constant 16 : index
      %swap3A_76 = tpu.vector_load %arg9[%swap3A_75] {strides = array<i32>} : memref<512xf32, #tpu.memory_space<vmem>>, vector<16xf32>,
      %swap3A_77 = vector.shape_cast %swap3A_76 : vector<16xf32> to vector<16xf32>
      %swap3A_78 = vector.shape_cast %broadcast_in_dim3A_74 : vector<16xf32> to vector<16xf32>
      tpu.vector_store %arg9[%swap3A_75], %swap3A_78 {strides = array<i32>} : memref<512xf32, #tpu.memory_space<vmem>>, vector<16xf32>,
      %broadcast_in_dim3A_79 = arith.constant 0.000000e+00 : f32
      %broadcast_in_dim3A_80 = vector.broadcast %broadcast_in_dim3A_79 : f32 to vector<16xf32>
      %swap3A_81 = arith.constant 32 : index
      %swap3A_82 = tpu.vector_load %arg9[%swap3A_81] {strides = array<i32>} : memref<512xf32, #tpu.memory_space<vmem>>, vector<16xf32>,
      %swap3A_83 = vector.shape_cast %swap3A_82 : vector<16xf32> to vector<16xf32>
      %swap3A_84 = vector.shape_cast %broadcast_in_dim3A_80 : vector<16xf32> to vector<16xf32>
      tpu.vector_store %arg9[%swap3A_81], %swap3A_84 {strides = array<i32>} : memref<512xf32, #tpu.memory_space<vmem>>, vector<16xf32>,
      %broadcast_in_dim3A_85 = arith.constant 0.000000e+00 : f32
      %broadcast_in_dim3A_86 = vector.broadcast %broadcast_in_dim3A_85 : f32 to vector<16xf32>
      %swap3A_87 = arith.constant 48 : index
      %swap3A_88 = tpu.vector_load %arg9[%swap3A_87] {strides = array<i32>} : memref<512xf32, #tpu.memory_space<vmem>>, vector<16xf32>,
      %swap3A_89 = vector.shape_cast %swap3A_88 : vector<16xf32> to vector<16xf32>
      %swap3A_90 = vector.shape_cast %broadcast_in_dim3A_86 : vector<16xf32> to vector<16xf32>
      tpu.vector_store %arg9[%swap3A_87], %swap3A_90 {strides = array<i32>} : memref<512xf32, #tpu.memory_space<vmem>>, vector<16xf32>,
      %broadcast_in_dim3A_91 = arith.constant 0.000000e+00 : f32
      %broadcast_in_dim3A_92 = vector.broadcast %broadcast_in_dim3A_91 : f32 to vector<16xf32>
      %swap3A_93 = arith.constant 64 : index
      %swap3A_94 = tpu.vector_load %arg9[%swap3A_93] {strides = array<i32>} : memref<512xf32, #tpu.memory_space<vmem>>, vector<16xf32>,
      %swap3A_95 = vector.shape_cast %swap3A_94 : vector<16xf32> to vector<16xf32>
      %swap3A_96 = vector.shape_cast %broadcast_in_dim3A_92 : vector<16xf32> to vector<16xf32>
      tpu.vector_store %arg9[%swap3A_93], %swap3A_96 {strides = array<i32>} : memref<512xf32, #tpu.memory_space<vmem>>, vector<16xf32>,
      %broadcast_in_dim3A_97 = arith.constant 0.000000e+00 : f32
      %broadcast_in_dim3A_98 = vector.broadcast %broadcast_in_dim3A_97 : f32 to vector<16xf32>
      %swap3A_99 = arith.constant 80 : index
      %swap3A_100 = tpu.vector_load %arg9[%swap3A_99] {strides = array<i32>} : memref<512xf32, #tpu.memory_space<vmem>>, vector<16xf32>,
      %swap3A_101 = vector.shape_cast %swap3A_100 : vector<16xf32> to vector<16xf32>
      %swap3A_102 = vector.shape_cast %broadcast_in_dim3A_98 : vector<16xf32> to vector<16xf32>
      tpu.vector_store %arg9[%swap3A_99], %swap3A_102 {strides = array<i32>} : memref<512xf32, #tpu.memory_space<vmem>>, vector<16xf32>,
      %broadcast_in_dim3A_103 = arith.constant 0.000000e+00 : f32
      %broadcast_in_dim3A_104 = vector.broadcast %broadcast_in_dim3A_103 : f32 to vector<16xf32>
      %swap3A_105 = arith.constant 96 : index
      %swap3A_106 = tpu.vector_load %arg9[%swap3A_105] {strides = array<i32>} : memref<512xf32, #tpu.memory_space<vmem>>, vector<16xf32>,
      %swap3A_107 = vector.shape_cast %swap3A_106 : vector<16xf32> to vector<16xf32>
      %swap3A_108 = vector.shape_cast %broadcast_in_dim3A_104 : vector<16xf32> to vector<16xf32>
      tpu.vector_store %arg9[%swap3A_105], %swap3A_108 {strides = array<i32>} : memref<512xf32, #tpu.memory_space<vmem>>, vector<16xf32>,
      %broadcast_in_dim3A_109 = arith.constant 0.000000e+00 : f32
      %broadcast_in_dim3A_110 = vector.broadcast %broadcast_in_dim3A_109 : f32 to vector<16xf32>
      %swap3A_111 = arith.constant 112 : index
      %swap3A_112 = tpu.vector_load %arg9[%swap3A_111] {strides = array<i32>} : memref<512xf32, #tpu.memory_space<vmem>>, vector<16xf32>,
      %swap3A_113 = vector.shape_cast %swap3A_112 : vector<16xf32> to vector<16xf32>
      %swap3A_114 = vector.shape_cast %broadcast_in_dim3A_110 : vector<16xf32> to vector<16xf32>
      tpu.vector_store %arg9[%swap3A_111], %swap3A_114 {strides = array<i32>} : memref<512xf32, #tpu.memory_space<vmem>>, vector<16xf32>,
      %broadcast_in_dim3A_115 = arith.constant 0.000000e+00 : f32
      %broadcast_in_dim3A_116 = vector.broadcast %broadcast_in_dim3A_115 : f32 to vector<16xf32>
      %swap3A_117 = arith.constant 128 : index
      %swap3A_118 = tpu.vector_load %arg9[%swap3A_117] {strides = array<i32>} : memref<512xf32, #tpu.memory_space<vmem>>, vector<16xf32>,
      %swap3A_119 = vector.shape_cast %swap3A_118 : vector<16xf32> to vector<16xf32>
      %swap3A_120 = vector.shape_cast %broadcast_in_dim3A_116 : vector<16xf32> to vector<16xf32>
      tpu.vector_store %arg9[%swap3A_117], %swap3A_120 {strides = array<i32>} : memref<512xf32, #tpu.memory_space<vmem>>, vector<16xf32>,
      %broadcast_in_dim3A_121 = arith.constant 0.000000e+00 : f32
      %broadcast_in_dim3A_122 = vector.broadcast %broadcast_in_dim3A_121 : f32 to vector<16xf32>
      %swap3A_123 = arith.constant 144 : index
      %swap3A_124 = tpu.vector_load %arg9[%swap3A_123] {strides = array<i32>} : memref<512xf32, #tpu.memory_space<vmem>>, vector<16xf32>,
      %swap3A_125 = vector.shape_cast %swap3A_124 : vector<16xf32> to vector<16xf32>
      %swap3A_126 = vector.shape_cast %broadcast_in_dim3A_122 : vector<16xf32> to vector<16xf32>
      tpu.vector_store %arg9[%swap3A_123], %swap3A_126 {strides = array<i32>} : memref<512xf32, #tpu.memory_space<vmem>>, vector<16xf32>,
      %broadcast_in_dim3A_127 = arith.constant 0.000000e+00 : f32
      %broadcast_in_dim3A_128 = vector.broadcast %broadcast_in_dim3A_127 : f32 to vector<16xf32>
      %swap3A_129 = arith.constant 160 : index
      %swap3A_130 = tpu.vector_load %arg9[%swap3A_129] {strides = array<i32>} : memref<512xf32, #tpu.memory_space<vmem>>, vector<16xf32>,
      %swap3A_131 = vector.shape_cast %swap3A_130 : vector<16xf32> to vector<16xf32>
      %swap3A_132 = vector.shape_cast %broadcast_in_dim3A_128 : vector<16xf32> to vector<16xf32>
      tpu.vector_store %arg9[%swap3A_129], %swap3A_132 {strides = array<i32>} : memref<512xf32, #tpu.memory_space<vmem>>, vector<16xf32>,
      %broadcast_in_dim3A_133 = arith.constant 0.000000e+00 : f32
      %broadcast_in_dim3A_134 = vector.broadcast %broadcast_in_dim3A_133 : f32 to vector<16xf32>
      %swap3A_135 = arith.constant 176 : index
      %swap3A_136 = tpu.vector_load %arg9[%swap3A_135] {strides = array<i32>} : memref<512xf32, #tpu.memory_space<vmem>>, vector<16xf32>,
      %swap3A_137 = vector.shape_cast %swap3A_136 : vector<16xf32> to vector<16xf32>
      %swap3A_138 = vector.shape_cast %broadcast_in_dim3A_134 : vector<16xf32> to vector<16xf32>
      tpu.vector_store %arg9[%swap3A_135], %swap3A_138 {strides = array<i32>} : memref<512xf32, #tpu.memory_space<vmem>>, vector<16xf32>,
      %broadcast_in_dim3A_139 = arith.constant 0.000000e+00 : f32
      %broadcast_in_dim3A_140 = vector.broadcast %broadcast_in_dim3A_139 : f32 to vector<16xf32>
      %swap3A_141 = arith.constant 192 : index
      %swap3A_142 = tpu.vector_load %arg9[%swap3A_141] {strides = array<i32>} : memref<512xf32, #tpu.memory_space<vmem>>, vector<16xf32>,
      %swap3A_143 = vector.shape_cast %swap3A_142 : vector<16xf32> to vector<16xf32>
      %swap3A_144 = vector.shape_cast %broadcast_in_dim3A_140 : vector<16xf32> to vector<16xf32>
      tpu.vector_store %arg9[%swap3A_141], %swap3A_144 {strides = array<i32>} : memref<512xf32, #tpu.memory_space<vmem>>, vector<16xf32>,
      %broadcast_in_dim3A_145 = arith.constant 0.000000e+00 : f32
      %broadcast_in_dim3A_146 = vector.broadcast %broadcast_in_dim3A_145 : f32 to vector<16xf32>
      %swap3A_147 = arith.constant 208 : index
      %swap3A_148 = tpu.vector_load %arg9[%swap3A_147] {strides = array<i32>} : memref<512xf32, #tpu.memory_space<vmem>>, vector<16xf32>,
      %swap3A_149 = vector.shape_cast %swap3A_148 : vector<16xf32> to vector<16xf32>
      %swap3A_150 = vector.shape_cast %broadcast_in_dim3A_146 : vector<16xf32> to vector<16xf32>
      tpu.vector_store %arg9[%swap3A_147], %swap3A_150 {strides = array<i32>} : memref<512xf32, #tpu.memory_space<vmem>>, vector<16xf32>,
      %broadcast_in_dim3A_151 = arith.constant 0.000000e+00 : f32
      %broadcast_in_dim3A_152 = vector.broadcast %broadcast_in_dim3A_151 : f32 to vector<16xf32>
      %swap3A_153 = arith.constant 224 : index
      %swap3A_154 = tpu.vector_load %arg9[%swap3A_153] {strides = array<i32>} : memref<512xf32, #tpu.memory_space<vmem>>, vector<16xf32>,
      %swap3A_155 = vector.shape_cast %swap3A_154 : vector<16xf32> to vector<16xf32>
      %swap3A_156 = vector.shape_cast %broadcast_in_dim3A_152 : vector<16xf32> to vector<16xf32>
      tpu.vector_store %arg9[%swap3A_153], %swap3A_156 {strides = array<i32>} : memref<512xf32, #tpu.memory_space<vmem>>, vector<16xf32>,
      %broadcast_in_dim3A_157 = arith.constant 0.000000e+00 : f32
      %broadcast_in_dim3A_158 = vector.broadcast %broadcast_in_dim3A_157 : f32 to vector<16xf32>
      %swap3A_159 = arith.constant 240 : index
      %swap3A_160 = tpu.vector_load %arg9[%swap3A_159] {strides = array<i32>} : memref<512xf32, #tpu.memory_space<vmem>>, vector<16xf32>,
      %swap3A_161 = vector.shape_cast %swap3A_160 : vector<16xf32> to vector<16xf32>
      %swap3A_162 = vector.shape_cast %broadcast_in_dim3A_158 : vector<16xf32> to vector<16xf32>
      tpu.vector_store %arg9[%swap3A_159], %swap3A_162 {strides = array<i32>} : memref<512xf32, #tpu.memory_space<vmem>>, vector<16xf32>,
      %broadcast_in_dim3A_163 = arith.constant 0.000000e+00 : f32
      %broadcast_in_dim3A_164 = vector.broadcast %broadcast_in_dim3A_163 : f32 to vector<16xf32>
      %swap3A_165 = arith.constant 256 : index
      %swap3A_166 = tpu.vector_load %arg9[%swap3A_165] {strides = array<i32>} : memref<512xf32, #tpu.memory_space<vmem>>, vector<16xf32>,
      %swap3A_167 = vector.shape_cast %swap3A_166 : vector<16xf32> to vector<16xf32>
      %swap3A_168 = vector.shape_cast %broadcast_in_dim3A_164 : vector<16xf32> to vector<16xf32>
      tpu.vector_store %arg9[%swap3A_165], %swap3A_168 {strides = array<i32>} : memref<512xf32, #tpu.memory_space<vmem>>, vector<16xf32>,
      %broadcast_in_dim3A_169 = arith.constant 0.000000e+00 : f32
      %broadcast_in_dim3A_170 = vector.broadcast %broadcast_in_dim3A_169 : f32 to vector<16xf32>
      %swap3A_171 = arith.constant 272 : index
      %swap3A_172 = tpu.vector_load %arg9[%swap3A_171] {strides = array<i32>} : memref<512xf32, #tpu.memory_space<vmem>>, vector<16xf32>,
      %swap3A_173 = vector.shape_cast %swap3A_172 : vector<16xf32> to vector<16xf32>
      %swap3A_174 = vector.shape_cast %broadcast_in_dim3A_170 : vector<16xf32> to vector<16xf32>
      tpu.vector_store %arg9[%swap3A_171], %swap3A_174 {strides = array<i32>} : memref<512xf32, #tpu.memory_space<vmem>>, vector<16xf32>,
      %broadcast_in_dim3A_175 = arith.constant 0.000000e+00 : f32
      %broadcast_in_dim3A_176 = vector.broadcast %broadcast_in_dim3A_175 : f32 to vector<16xf32>
      %swap3A_177 = arith.constant 288 : index
      %swap3A_178 = tpu.vector_load %arg9[%swap3A_177] {strides = array<i32>} : memref<512xf32, #tpu.memory_space<vmem>>, vector<16xf32>,
      %swap3A_179 = vector.shape_cast %swap3A_178 : vector<16xf32> to vector<16xf32>
      %swap3A_180 = vector.shape_cast %broadcast_in_dim3A_176 : vector<16xf32> to vector<16xf32>
      tpu.vector_store %arg9[%swap3A_177], %swap3A_180 {strides = array<i32>} : memref<512xf32, #tpu.memory_space<vmem>>, vector<16xf32>,
      %broadcast_in_dim3A_181 = arith.constant 0.000000e+00 : f32
      %broadcast_in_dim3A_182 = vector.broadcast %broadcast_in_dim3A_181 : f32 to vector<16xf32>
      %swap3A_183 = arith.constant 304 : index
      %swap3A_184 = tpu.vector_load %arg9[%swap3A_183] {strides = array<i32>} : memref<512xf32, #tpu.memory_space<vmem>>, vector<16xf32>,
      %swap3A_185 = vector.shape_cast %swap3A_184 : vector<16xf32> to vector<16xf32>
      %swap3A_186 = vector.shape_cast %broadcast_in_dim3A_182 : vector<16xf32> to vector<16xf32>
      tpu.vector_store %arg9[%swap3A_183], %swap3A_186 {strides = array<i32>} : memref<512xf32, #tpu.memory_space<vmem>>, vector<16xf32>,
      %broadcast_in_dim3A_187 = arith.constant 0.000000e+00 : f32
      %broadcast_in_dim3A_188 = vector.broadcast %broadcast_in_dim3A_187 : f32 to vector<16xf32>
      %swap3A_189 = arith.constant 320 : index
      %swap3A_190 = tpu.vector_load %arg9[%swap3A_189] {strides = array<i32>} : memref<512xf32, #tpu.memory_space<vmem>>, vector<16xf32>,
      %swap3A_191 = vector.shape_cast %swap3A_190 : vector<16xf32> to vector<16xf32>
      %swap3A_192 = vector.shape_cast %broadcast_in_dim3A_188 : vector<16xf32> to vector<16xf32>
      tpu.vector_store %arg9[%swap3A_189], %swap3A_192 {strides = array<i32>} : memref<512xf32, #tpu.memory_space<vmem>>, vector<16xf32>,
      %broadcast_in_dim3A_193 = arith.constant 0.000000e+00 : f32
      %broadcast_in_dim3A_194 = vector.broadcast %broadcast_in_dim3A_193 : f32 to vector<16xf32>
      %swap3A_195 = arith.constant 336 : index
      %swap3A_196 = tpu.vector_load %arg9[%swap3A_195] {strides = array<i32>} : memref<512xf32, #tpu.memory_space<vmem>>, vector<16xf32>,
      %swap3A_197 = vector.shape_cast %swap3A_196 : vector<16xf32> to vector<16xf32>
      %swap3A_198 = vector.shape_cast %broadcast_in_dim3A_194 : vector<16xf32> to vector<16xf32>
      tpu.vector_store %arg9[%swap3A_195], %swap3A_198 {strides = array<i32>} : memref<512xf32, #tpu.memory_space<vmem>>, vector<16xf32>,
      %broadcast_in_dim3A_199 = arith.constant 0.000000e+00 : f32
      %broadcast_in_dim3A_200 = vector.broadcast %broadcast_in_dim3A_199 : f32 to vector<16xf32>
      %swap3A_201 = arith.constant 352 : index
      %swap3A_202 = tpu.vector_load %arg9[%swap3A_201] {strides = array<i32>} : memref<512xf32, #tpu.memory_space<vmem>>, vector<16xf32>,
      %swap3A_203 = vector.shape_cast %swap3A_202 : vector<16xf32> to vector<16xf32>
      %swap3A_204 = vector.shape_cast %broadcast_in_dim3A_200 : vector<16xf32> to vector<16xf32>
      tpu.vector_store %arg9[%swap3A_201], %swap3A_204 {strides = array<i32>} : memref<512xf32, #tpu.memory_space<vmem>>, vector<16xf32>,
      %broadcast_in_dim3A_205 = arith.constant 0.000000e+00 : f32
      %broadcast_in_dim3A_206 = vector.broadcast %broadcast_in_dim3A_205 : f32 to vector<16xf32>
      %swap3A_207 = arith.constant 368 : index
      %swap3A_208 = tpu.vector_load %arg9[%swap3A_207] {strides = array<i32>} : memref<512xf32, #tpu.memory_space<vmem>>, vector<16xf32>,
      %swap3A_209 = vector.shape_cast %swap3A_208 : vector<16xf32> to vector<16xf32>
      %swap3A_210 = vector.shape_cast %broadcast_in_dim3A_206 : vector<16xf32> to vector<16xf32>
      tpu.vector_store %arg9[%swap3A_207], %swap3A_210 {strides = array<i32>} : memref<512xf32, #tpu.memory_space<vmem>>, vector<16xf32>,
      %broadcast_in_dim3A_211 = arith.constant 0.000000e+00 : f32
      %broadcast_in_dim3A_212 = vector.broadcast %broadcast_in_dim3A_211 : f32 to vector<16xf32>
      %swap3A_213 = arith.constant 384 : index
      %swap3A_214 = tpu.vector_load %arg9[%swap3A_213] {strides = array<i32>} : memref<512xf32, #tpu.memory_space<vmem>>, vector<16xf32>,
      %swap3A_215 = vector.shape_cast %swap3A_214 : vector<16xf32> to vector<16xf32>
      %swap3A_216 = vector.shape_cast %broadcast_in_dim3A_212 : vector<16xf32> to vector<16xf32>
      tpu.vector_store %arg9[%swap3A_213], %swap3A_216 {strides = array<i32>} : memref<512xf32, #tpu.memory_space<vmem>>, vector<16xf32>,
      %broadcast_in_dim3A_217 = arith.constant 0.000000e+00 : f32
      %broadcast_in_dim3A_218 = vector.broadcast %broadcast_in_dim3A_217 : f32 to vector<16xf32>
      %swap3A_219 = arith.constant 400 : index
      %swap3A_220 = tpu.vector_load %arg9[%swap3A_219] {strides = array<i32>} : memref<512xf32, #tpu.memory_space<vmem>>, vector<16xf32>,
      %swap3A_221 = vector.shape_cast %swap3A_220 : vector<16xf32> to vector<16xf32>
      %swap3A_222 = vector.shape_cast %broadcast_in_dim3A_218 : vector<16xf32> to vector<16xf32>
      tpu.vector_store %arg9[%swap3A_219], %swap3A_222 {strides = array<i32>} : memref<512xf32, #tpu.memory_space<vmem>>, vector<16xf32>,
      %broadcast_in_dim3A_223 = arith.constant 0.000000e+00 : f32
      %broadcast_in_dim3A_224 = vector.broadcast %broadcast_in_dim3A_223 : f32 to vector<16xf32>
      %swap3A_225 = arith.constant 416 : index
      %swap3A_226 = tpu.vector_load %arg9[%swap3A_225] {strides = array<i32>} : memref<512xf32, #tpu.memory_space<vmem>>, vector<16xf32>,
      %swap3A_227 = vector.shape_cast %swap3A_226 : vector<16xf32> to vector<16xf32>
      %swap3A_228 = vector.shape_cast %broadcast_in_dim3A_224 : vector<16xf32> to vector<16xf32>
      tpu.vector_store %arg9[%swap3A_225], %swap3A_228 {strides = array<i32>} : memref<512xf32, #tpu.memory_space<vmem>>, vector<16xf32>,
      %broadcast_in_dim3A_229 = arith.constant 0.000000e+00 : f32
      %broadcast_in_dim3A_230 = vector.broadcast %broadcast_in_dim3A_229 : f32 to vector<16xf32>
      %swap3A_231 = arith.constant 432 : index
      %swap3A_232 = tpu.vector_load %arg9[%swap3A_231] {strides = array<i32>} : memref<512xf32, #tpu.memory_space<vmem>>, vector<16xf32>,
      %swap3A_233 = vector.shape_cast %swap3A_232 : vector<16xf32> to vector<16xf32>
      %swap3A_234 = vector.shape_cast %broadcast_in_dim3A_230 : vector<16xf32> to vector<16xf32>
      tpu.vector_store %arg9[%swap3A_231], %swap3A_234 {strides = array<i32>} : memref<512xf32, #tpu.memory_space<vmem>>, vector<16xf32>,
      %broadcast_in_dim3A_235 = arith.constant 0.000000e+00 : f32
      %broadcast_in_dim3A_236 = vector.broadcast %broadcast_in_dim3A_235 : f32 to vector<16xf32>
      %swap3A_237 = arith.constant 448 : index
      %swap3A_238 = tpu.vector_load %arg9[%swap3A_237] {strides = array<i32>} : memref<512xf32, #tpu.memory_space<vmem>>, vector<16xf32>,
      %swap3A_239 = vector.shape_cast %swap3A_238 : vector<16xf32> to vector<16xf32>
      %swap3A_240 = vector.shape_cast %broadcast_in_dim3A_236 : vector<16xf32> to vector<16xf32>
      tpu.vector_store %arg9[%swap3A_237], %swap3A_240 {strides = array<i32>} : memref<512xf32, #tpu.memory_space<vmem>>, vector<16xf32>,
      %broadcast_in_dim3A_241 = arith.constant 0.000000e+00 : f32
      %broadcast_in_dim3A_242 = vector.broadcast %broadcast_in_dim3A_241 : f32 to vector<16xf32>
      %swap3A_243 = arith.constant 464 : index
      %swap3A_244 = tpu.vector_load %arg9[%swap3A_243] {strides = array<i32>} : memref<512xf32, #tpu.memory_space<vmem>>, vector<16xf32>,
      %swap3A_245 = vector.shape_cast %swap3A_244 : vector<16xf32> to vector<16xf32>
      %swap3A_246 = vector.shape_cast %broadcast_in_dim3A_242 : vector<16xf32> to vector<16xf32>
      tpu.vector_store %arg9[%swap3A_243], %swap3A_246 {strides = array<i32>} : memref<512xf32, #tpu.memory_space<vmem>>, vector<16xf32>,
      %broadcast_in_dim3A_247 = arith.constant 0.000000e+00 : f32
      %broadcast_in_dim3A_248 = vector.broadcast %broadcast_in_dim3A_247 : f32 to vector<16xf32>
      %swap3A_249 = arith.constant 480 : index
      %swap3A_250 = tpu.vector_load %arg9[%swap3A_249] {strides = array<i32>} : memref<512xf32, #tpu.memory_space<vmem>>, vector<16xf32>,
      %swap3A_251 = vector.shape_cast %swap3A_250 : vector<16xf32> to vector<16xf32>
      %swap3A_252 = vector.shape_cast %broadcast_in_dim3A_248 : vector<16xf32> to vector<16xf32>
      tpu.vector_store %arg9[%swap3A_249], %swap3A_252 {strides = array<i32>} : memref<512xf32, #tpu.memory_space<vmem>>, vector<16xf32>,
      %broadcast_in_dim3A_253 = arith.constant 0.000000e+00 : f32
      %broadcast_in_dim3A_254 = vector.broadcast %broadcast_in_dim3A_253 : f32 to vector<16xf32>
      %swap3A_255 = arith.constant 496 : index
      %swap3A_256 = tpu.vector_load %arg9[%swap3A_255] {strides = array<i32>} : memref<512xf32, #tpu.memory_space<vmem>>, vector<16xf32>,
      %swap3A_257 = vector.shape_cast %swap3A_256 : vector<16xf32> to vector<16xf32>
      %swap3A_258 = vector.shape_cast %broadcast_in_dim3A_254 : vector<16xf32> to vector<16xf32>
      tpu.vector_store %arg9[%swap3A_255], %swap3A_258 {strides = array<i32>} : memref<512xf32, #tpu.memory_space<vmem>>, vector<16xf32>,
      "tpu.region"() ({
        %run_scoped3A = tpu.sem_alloc : memref<!tpu.dma_semaphore, #tpu.memory_space<semaphore_mem>>
        tpu.enqueue_dma source(%arg9 : memref<512xf32, #tpu.memory_space<vmem>>) target(%arg10 : memref<512xf32, #tpu.memory_space<vmem_shared>>) target_semaphore(%run_scoped3A : memref<!tpu.dma_semaphore, #tpu.memory_space<semaphore_mem>>)
        tpu.wait_dma2 semaphore(%run_scoped3A : memref<!tpu.dma_semaphore, #tpu.memory_space<semaphore_mem>>) src(%arg9 : memref<512xf32, #tpu.memory_space<vmem>>) dst(%arg10 : memref<512xf32, #tpu.memory_space<vmem_shared>>)
        tpu.yield
      }) : () -> ()
    } else {
    }
    %barrier3A = arith.constant 0 : index
    tpu.barrier barrier_id(%barrier3A)
    "tpu.region"() ({
      %run_scoped3A = tpu.sem_alloc : memref<!tpu.dma_semaphore, #tpu.memory_space<semaphore_mem>>
      %dma_start3A_67 = arith.constant 0 : i32
      %dma_start3A_68 = tpu.memref_slice %arg10[%dma_start3A_67] : memref<512xf32, #tpu.memory_space<vmem_shared>> -> memref<512xf32, #tpu.memory_space<vmem_shared>>
      tpu.enqueue_indirect_dma source(%arg8 : memref<144xf32, #tpu.memory_space<vmem>>) target(%dma_start3A_68 : memref<512xf32, #tpu.memory_space<vmem_shared>>) offsets(%arg6 : memref<144xi32, #tpu.memory_space<vmem>>) semaphore(%run_scoped3A : memref<!tpu.dma_semaphore, #tpu.memory_space<semaphore_mem>>) {add = true}
      %dma_wait3A_69 = arith.constant 0 : i32
      %dma_wait3A_70 = tpu.memref_slice %arg10[%dma_wait3A_69] : memref<512xf32, #tpu.memory_space<vmem_shared>> -> memref<512xf32, #tpu.memory_space<vmem_shared>>
      tpu.wait_indirect_dma semaphore(%run_scoped3A : memref<!tpu.dma_semaphore, #tpu.memory_space<semaphore_mem>>) src(%arg8 : memref<144xf32, #tpu.memory_space<vmem>>) dst(%dma_wait3A_70 : memref<512xf32, #tpu.memory_space<vmem_shared>>)
      tpu.yield
    }) : () -> ()
    %dma_wait3A = arith.constant 0 : i32
    %dma_wait3A_59 = arith.constant 0 : i32
    %dma_wait3A_60 = tpu.memref_slice %arg3[%dma_wait3A, %dma_wait3A_59] : memref<512x64xf32, #tpu.memory_space<hbm>> -> memref<512x64xf32, #tpu.memory_space<hbm>>
    tpu.wait_indirect_dma semaphore(%arg11 : memref<!tpu.dma_semaphore, #tpu.memory_space<semaphore_mem>>) src(%dma_wait3A_60 : memref<512x64xf32, #tpu.memory_space<hbm>>) dst(%arg7 : memref<144x64xf32, #tpu.memory_space<vmem>>)
    "tpu.region"() ({
      %run_scoped3A = tpu.sem_alloc : memref<!tpu.dma_semaphore, #tpu.memory_space<semaphore_mem>>
      %dma_start3A_67 = arith.constant 0 : i32
      %dma_start3A_68 = tpu.memref_slice %arg4[%mul3A_2, %dma_start3A_67] : memref<2304x64xf32, #tpu.memory_space<hbm>> -> memref<144x64xf32, #tpu.memory_space<hbm>>
      %dma_start3A_69 = arith.constant 0 : i32
      %dma_start3A_70 = tpu.memref_slice %arg4[%mul3A_2, %dma_start3A_69] : memref<2304x64xf32, #tpu.memory_space<hbm>> -> memref<144x64xf32, #tpu.memory_space<hbm>>
      tpu.enqueue_dma source(%arg7 : memref<144x64xf32, #tpu.memory_space<vmem>>) target(%dma_start3A_70 : memref<144x64xf32, #tpu.memory_space<hbm>>) target_semaphore(%run_scoped3A : memref<!tpu.dma_semaphore, #tpu.memory_space<semaphore_mem>>)
      %dma_wait3A_71 = arith.constant 0 : i32
      %dma_wait3A_72 = tpu.memref_slice %arg4[%mul3A_2, %dma_wait3A_71] : memref<2304x64xf32, #tpu.memory_space<hbm>> -> memref<144x64xf32, #tpu.memory_space<hbm>>
      %dma_wait3A_73 = arith.constant 0 : i32
      %dma_wait3A_74 = tpu.memref_slice %arg4[%mul3A_2, %dma_wait3A_73] : memref<2304x64xf32, #tpu.memory_space<hbm>> -> memref<144x64xf32, #tpu.memory_space<hbm>>
      tpu.wait_dma2 semaphore(%run_scoped3A : memref<!tpu.dma_semaphore, #tpu.memory_space<semaphore_mem>>) src(%arg7 : memref<144x64xf32, #tpu.memory_space<vmem>>) dst(%dma_wait3A_74 : memref<144x64xf32, #tpu.memory_space<hbm>>)
      tpu.yield
    }) : () -> ()
    %barrier3A_61 = arith.constant 0 : index
    tpu.barrier barrier_id(%barrier3A_61)
    %eq3A_62 = arith.constant 0 : i32
    %eq3A_63 = arith.cmpi eq, %arg1, %eq3A_62 : i32
    %convert_element_type3A_64 = arith.extui %eq3A_63 : i1 to i32
    %cond3A_65 = arith.constant 0 : i32
    %cond3A_66 = arith.cmpi ne, %convert_element_type3A_64, %cond3A_65 : i32
    scf.if %cond3A_66 {
      "tpu.region"() ({
        %run_scoped3A = tpu.sem_alloc : memref<!tpu.dma_semaphore, #tpu.memory_space<semaphore_mem>>
        %dma_start3A_67 = arith.constant 0 : i32
        %dma_start3A_68 = tpu.memref_slice %arg5[%arg0, %dma_start3A_67] : memref<1x512xf32, #tpu.memory_space<hbm>> -> memref<1x512xf32, #tpu.memory_space<hbm>>
        %dma_start3A_69 = tpu.memref_squeeze %dma_start3A_68 : memref<1x512xf32, #tpu.memory_space<hbm>> -> memref<512xf32, #tpu.memory_space<hbm>>
        tpu.enqueue_dma source(%arg10 : memref<512xf32, #tpu.memory_space<vmem_shared>>) target(%dma_start3A_69 : memref<512xf32, #tpu.memory_space<hbm>>) target_semaphore(%run_scoped3A : memref<!tpu.dma_semaphore, #tpu.memory_space<semaphore_mem>>)
        %dma_wait3A_70 = arith.constant 0 : i32
        %dma_wait3A_71 = tpu.memref_slice %arg5[%arg0, %dma_wait3A_70] : memref<1x512xf32, #tpu.memory_space<hbm>> -> memref<1x512xf32, #tpu.memory_space<hbm>>
        %dma_wait3A_72 = tpu.memref_squeeze %dma_wait3A_71 : memref<1x512xf32, #tpu.memory_space<hbm>> -> memref<512xf32, #tpu.memory_space<hbm>>
        tpu.wait_dma2 semaphore(%run_scoped3A : memref<!tpu.dma_semaphore, #tpu.memory_space<semaphore_mem>>) src(%arg10 : memref<512xf32, #tpu.memory_space<vmem_shared>>) dst(%dma_wait3A_72 : memref<512xf32, #tpu.memory_space<hbm>>)
        tpu.yield
      }) : () -> ()
    } else {
    }
    return
  }
}

module attributes {stable_mosaic.version = 14 : i64} {
  func.func @_vq_tc_body(%arg0: i32, %arg1: memref<1x384x576xbf16, #tpu.memory_space<vmem>>, %arg2: memref<64x384xbf16, #tpu.memory_space<vmem>>, %arg3: memref<512x64xf32, #tpu.memory_space<vmem>>, %arg4: memref<1x1x576xf32, #tpu.memory_space<vmem>>, %arg5: memref<1x1x576xi32, #tpu.memory_space<vmem>>, %arg6: memref<1x1x576xf32, #tpu.memory_space<vmem>>, %arg7: memref<512x1xf32, #tpu.memory_space<vmem>>) attributes {dimension_semantics = [#tpu.dimension_semantics<arbitrary>], iteration_bounds = array<i64: 4>, scalar_prefetch = 0 : i64, scratch_operands = 0 : i64, tpu.core_type = #tpu.core_type<tc>, window_params = [{transform_indices = @transform_0, window_bounds = array<i64: 1, 384, 576>}, {pipeline_mode = #tpu.pipeline_mode<synchronous>, transform_indices = @transform_1, window_bounds = array<i64: 64, 384>}, {pipeline_mode = #tpu.pipeline_mode<synchronous>, transform_indices = @transform_2, window_bounds = array<i64: 512, 64>}, {transform_indices = @transform_3, window_bounds = array<i64: 1, 1, 576>}, {transform_indices = @transform_4, window_bounds = array<i64: 1, 1, 576>}, {transform_indices = @transform_5, window_bounds = array<i64: 1, 1, 576>}, {pipeline_mode = #tpu.pipeline_mode<synchronous>, transform_indices = @transform_6, window_bounds = array<i64: 512, 1>}]} {
    %get3A = arith.constant 0 : index
    %get3A_0 = arith.constant 0 : index
    %get3A_1 = vector.load %arg3[%get3A, %get3A_0] : memref<512x64xf32, #tpu.memory_space<vmem>>, vector<512x64xf32>
    %mul3A = arith.mulf %get3A_1, %get3A_1 : vector<512x64xf32>
    %reduce_sum3A = arith.constant dense<0.000000e+00> : vector<512xf32>
    %reduce_sum3A_2 = vector.multi_reduction <add>, %mul3A, %reduce_sum3A [1] : vector<512x64xf32> to vector<512xf32>
    %broadcast_in_dim3A = vector.shape_cast %reduce_sum3A_2 : vector<512xf32> to vector<512x1xf32>
    %sqrt3A = math.sqrt %broadcast_in_dim3A : vector<512x1xf32>
    %swap3A = arith.constant 0 : index
    %swap3A_3 = arith.constant 0 : index
    %swap3A_4 = vector.load %arg7[%swap3A, %swap3A_3] : memref<512x1xf32, #tpu.memory_space<vmem>>, vector<512x1xf32>
    tpu.vector_store %arg7[%swap3A, %swap3A_3], %sqrt3A {strides = array<i32>} : memref<512x1xf32, #tpu.memory_space<vmem>>, vector<512x1xf32>,
    %iota3A = tpu.iota {dimensions = array<i32: 0>} : vector<512x576xi32>
    %get3A_5 = arith.constant 0 : index
    %get3A_6 = arith.constant 0 : index
    %get3A_7 = vector.load %arg2[%get3A_5, %get3A_6] : memref<64x384xbf16, #tpu.memory_space<vmem>>, vector<64x384xbf16>
    %get3A_8 = arith.constant 0 : index
    %get3A_9 = arith.constant 0 : index
    %get3A_10 = arith.constant 0 : index
    %get3A_11 = vector.load %arg1[%get3A_8, %get3A_9, %get3A_10] : memref<1x384x576xbf16, #tpu.memory_space<vmem>>, vector<1x384x576xbf16>
    %get3A_12 = vector.shape_cast %get3A_11 : vector<1x384x576xbf16> to vector<384x576xbf16>
    %dot_general3A = arith.constant dense<0.000000e+00> : vector<64x576xf32>
    %dot_general3A_13 = tpu.matmul %get3A_7, %get3A_12, %dot_general3A {dimension_numbers = #tpu.dot_dimension_numbers<[1], [0], [0], [1], [0, 0, 1, 1], [], []>, transpose_lhs_hint = false} : vector<64x384xbf16>, vector<384x576xbf16>, vector<64x576xf32> -> vector<64x576xf32>
    %dot_general3A_14 = arith.constant dense<0.000000e+00> : vector<512x576xf32>
    %dot_general3A_15 = tpu.matmul %get3A_1, %dot_general3A_13, %dot_general3A_14 {dimension_numbers = #tpu.dot_dimension_numbers<[1], [0], [0], [1], [0, 0, 1, 1], [], []>, precision = #tpu.contract_precision<fp32>, transpose_lhs_hint = false} : vector<512x64xf32>, vector<64x576xf32>, vector<512x576xf32> -> vector<512x576xf32>
    %mul3A_16 = arith.constant 2.000000e+00 : f32
    %mul3A_17 = vector.broadcast %mul3A_16 : f32 to vector<512x576xf32>
    %mul3A_18 = arith.mulf %mul3A_17, %dot_general3A_15 : vector<512x576xf32>
    %sub3A = vector.broadcast %broadcast_in_dim3A : vector<512x1xf32> to vector<512x576xf32>
    %sub3A_19 = arith.subf %sub3A, %mul3A_18 : vector<512x576xf32>
    %reduce_min3A = arith.constant dense<0x7F800000> : vector<576xf32>
    %reduce_min3A_20 = vector.multi_reduction <minimumf>, %sub3A_19, %reduce_min3A [0] : vector<512x576xf32> to vector<576xf32>
    %broadcast_in_dim3A_21 = vector.shape_cast %reduce_min3A_20 : vector<576xf32> to vector<1x576xf32>
    %eq3A = vector.broadcast %broadcast_in_dim3A_21 : vector<1x576xf32> to vector<512x576xf32>
    %eq3A_22 = arith.cmpf oeq, %sub3A_19, %eq3A : vector<512x576xf32>
    %jit3A = arith.constant 512 : i32
    %broadcast_in_dim3A_23 = vector.broadcast %jit3A : i32 to vector<512x576xi32>
    %select_n3A = arith.select %eq3A_22, %iota3A, %broadcast_in_dim3A_23 : vector<512x576xi1>, vector<512x576xi32>
    %reduce_min3A_24 = arith.constant dense<2147483647> : vector<576xi32>
    %reduce_min3A_25 = vector.multi_reduction <minsi>, %select_n3A, %reduce_min3A_24 [0] : vector<512x576xi32> to vector<576xi32>
    %broadcast_in_dim3A_26 = vector.shape_cast %reduce_min3A_25 : vector<576xi32> to vector<1x576xi32>
    %mul3A_27 = arith.mulf %dot_general3A_13, %dot_general3A_13 : vector<64x576xf32>
    %reduce_sum3A_28 = arith.constant dense<0.000000e+00> : vector<576xf32>
    %reduce_sum3A_29 = vector.multi_reduction <add>, %mul3A_27, %reduce_sum3A_28 [0] : vector<64x576xf32> to vector<576xf32>
    %broadcast_in_dim3A_30 = vector.shape_cast %reduce_sum3A_29 : vector<576xf32> to vector<1x576xf32>
    %add3A = arith.addf %broadcast_in_dim3A_21, %broadcast_in_dim3A_30 : vector<1x576xf32>
    %swap3A_31 = arith.constant 0 : index
    %swap3A_32 = arith.constant 0 : index
    %swap3A_33 = arith.constant 0 : index
    %swap3A_34 = vector.load %arg4[%swap3A_31, %swap3A_32, %swap3A_33] : memref<1x1x576xf32, #tpu.memory_space<vmem>>, vector<1x1x576xf32>
    %swap3A_35 = vector.shape_cast %swap3A_34 : vector<1x1x576xf32> to vector<1x576xf32>
    %swap3A_36 = vector.shape_cast %add3A : vector<1x576xf32> to vector<1x1x576xf32>
    tpu.vector_store %arg4[%swap3A_31, %swap3A_32, %swap3A_33], %swap3A_36 {strides = array<i32>} : memref<1x1x576xf32, #tpu.memory_space<vmem>>, vector<1x1x576xf32>,
    %swap3A_37 = arith.constant 0 : index
    %swap3A_38 = arith.constant 0 : index
    %swap3A_39 = arith.constant 0 : index
    %swap3A_40 = vector.load %arg5[%swap3A_37, %swap3A_38, %swap3A_39] : memref<1x1x576xi32, #tpu.memory_space<vmem>>, vector<1x1x576xi32>
    %swap3A_41 = vector.shape_cast %swap3A_40 : vector<1x1x576xi32> to vector<1x576xi32>
    %swap3A_42 = vector.shape_cast %broadcast_in_dim3A_26 : vector<1x576xi32> to vector<1x1x576xi32>
    tpu.vector_store %arg5[%swap3A_37, %swap3A_38, %swap3A_39], %swap3A_42 {strides = array<i32>} : memref<1x1x576xi32, #tpu.memory_space<vmem>>, vector<1x1x576xi32>,
    %sqrt3A_43 = math.sqrt %broadcast_in_dim3A_30 : vector<1x576xf32>
    %swap3A_44 = arith.constant 0 : index
    %swap3A_45 = arith.constant 0 : index
    %swap3A_46 = arith.constant 0 : index
    %swap3A_47 = vector.load %arg6[%swap3A_44, %swap3A_45, %swap3A_46] : memref<1x1x576xf32, #tpu.memory_space<vmem>>, vector<1x1x576xf32>
    %swap3A_48 = vector.shape_cast %swap3A_47 : vector<1x1x576xf32> to vector<1x576xf32>
    %swap3A_49 = vector.shape_cast %sqrt3A_43 : vector<1x576xf32> to vector<1x1x576xf32>
    tpu.vector_store %arg6[%swap3A_44, %swap3A_45, %swap3A_46], %swap3A_49 {strides = array<i32>} : memref<1x1x576xf32, #tpu.memory_space<vmem>>, vector<1x1x576xf32>,
    return
  }
  func.func @transform_0(%arg0: i32) -> (i32, i32, i32) {
    %c0_i32 = arith.constant 0 : i32
    %c0_i32_0 = arith.constant 0 : i32
    %c0_i32_1 = arith.constant 0 : i32
    return %arg0, %c0_i32, %c0_i32_0 : i32, i32, i32
  }
  func.func @transform_1(%arg0: i32) -> (i32, i32) {
    %c0_i32 = arith.constant 0 : i32
    %c0_i32_0 = arith.constant 0 : i32
    %c0_i32_1 = arith.constant 0 : i32
    return %c0_i32, %c0_i32_0 : i32, i32
  }
  func.func @transform_2(%arg0: i32) -> (i32, i32) {
    %c0_i32 = arith.constant 0 : i32
    %c0_i32_0 = arith.constant 0 : i32
    %c0_i32_1 = arith.constant 0 : i32
    return %c0_i32, %c0_i32_0 : i32, i32
  }
  func.func @transform_3(%arg0: i32) -> (i32, i32, i32) {
    %c0_i32 = arith.constant 0 : i32
    %c0_i32_0 = arith.constant 0 : i32
    %c0_i32_1 = arith.constant 0 : i32
    return %arg0, %c0_i32, %c0_i32_0 : i32, i32, i32
  }
  func.func @transform_4(%arg0: i32) -> (i32, i32, i32) {
    %c0_i32 = arith.constant 0 : i32
    %c0_i32_0 = arith.constant 0 : i32
    %c0_i32_1 = arith.constant 0 : i32
    return %arg0, %c0_i32, %c0_i32_0 : i32, i32, i32
  }
  func.func @transform_5(%arg0: i32) -> (i32, i32, i32) {
    %c0_i32 = arith.constant 0 : i32
    %c0_i32_0 = arith.constant 0 : i32
    %c0_i32_1 = arith.constant 0 : i32
    return %arg0, %c0_i32, %c0_i32_0 : i32, i32, i32
  }
  func.func @transform_6(%arg0: i32) -> (i32, i32) {
    %c0_i32 = arith.constant 0 : i32
    %c0_i32_0 = arith.constant 0 : i32
    %c0_i32_1 = arith.constant 0 : i32
    return %c0_i32, %c0_i32_0 : i32, i32
  }
}

</mosaic_0001>

<sc_bundles>
// kernel: kernel.4.cloned.1.call-start
scs
__scs_entry_jumppad:
0x0: {  	(pc) =	sbr.rel $0x88, $3  }
0x1: {  	(tag) =	ssettag $0x0;
	lr =	simm.s32 $0x1  }
0x2: {  	[smem:$0x3F9E] =	sst lr;
	_ =	strace $0xD0000000  }
0x3: {  	_ = 	snop  }
0x4: {  	_ = 	snop  }
0x5: {  	_ = 	snop  }
0x6: {  	_ = 	snop  }
0x7: {  	_ = 	snop  }
__scs_overlays_trampoline_lowered:
0x8: {  	[smem:$0x3FAD] =	sst s0  }
0x9: {  	[smem:$0x3FAE] =	sst s1  }
0xa: {  	[smem:$0x3FAF] =	sst s2  }
0xb: {  	[smem:$0x3FB0] =	sst s3  }
0xc: {  	[smem:$0x3FB1] =	sst s4  }
0xd: {  	[smem:$0x3FB2] =	sst s5  }
0xe: {  	[smem:$0x3FB3] =	sst s6  }
0xf: {  	[smem:$0x3FB4] =	sst s7  }
0x10: {  	[smem:$0x3FB5] =	sst s8  }
0x11: {  	[smem:$0x3FB6] =	sst s9;
	s0 =	simm.s32 @!p0 $0x0  }
0x12: {  	s1 =	sld [smem:$0x3F9C];
	s0 =	simm.s32 @p0 $0x1  }
0x13: {  	[smem:$0x3FB7] =	sst s0;
	s0 =	simm.s32 @!p1 $0x0  }
0x14: {  	s2 =	sld [smem:$0x3F9B];
	s0 =	simm.s32 @p1 $0x1  }
0x15: {  	[smem:$0x3FB8] =	sst s0;
	s0 =	simm.s32 @!p2 $0x0  }
0x16: {  	s3 =	sld [smem:$0x3FDB];
	s0 =	simm.s32 @p2 $0x1  }
0x17: {  	s4 =	simm.s32 $0x1BF5;
	[smem:$0x3FBA] =	sst s0  }
0x18: {  	s0 =	sld [smem:$0x3F9D];
	_ =	swait.ge [sflag:s4], $0x0  }
0x19: {  	s7 =	sld [smem:$0x3F9E]  }
0x1a: {  	s8 =	sadd.s32 $0xFFFFE003, lr  }
0x1b: {  	s9 =	sadd.s32 $0xFFFFFEF7, lr;
	s5 =	simm.s32 $0xFFFFFFFF;
	p2 =	slt.u32 s8, $0xFFFFF086  }
0x1c: {  	p1 =	slt.u32 s9, $0xF7A;
	s5 =	simm.s32 @!p2 $0x0  }
0x1d: {  	s5 =	simm.s32 @p1 $0x1;
	p0 =	seq.s32 s7, s2  }
0x1e: {  	s7 =	smul.u32 @!p0 $0xF7A, s2;
	p2 =	seq.s32 @!p0 s5, $0x0  }
0x1f: {  	s9 =	smul.u32 $0xF7A, s1;
	s8 =	simm.s32 @!p0 $0x1BF5;
	p2 =	por !p2, p0  }
0x20: {  	[sflag:s8] =	ssyncset.s32 @!p0 $0xFFFFF086;
	s6 =	sadd.s32 @!p0 s3, s7;
	s7 =	simm.s32 @!p0 $0x108  }
0x21: {  	s3 =	sadd.s32 s3, s9;
	s6 =	sadd.s32 @!p0 $0x88, s6;
	s7 =	simm.s32 @p2 $0x1082  }
0x22: {  	[simem:s7], [sflag:s8] =	dma.local @!p0 [hbm:s6], $0xF7A  }
0x23: {  	s9 =	sor.u32 $0xD0000000, s2;
	s6 =	simm.s32 $0x108;
	_ =	swait.ge @!p0 [sflag:s8], $0x0  }
0x24: {  	s3 =	sadd.s32 $0x88, s3;
	s6 =	simm.s32 @!p1 $0x1082;
	[sflag:s4] =	ssyncset.s32 $0xFFFFF086  }
0x25: {  	[simem:s6], [sflag:s4] =	dma.local [hbm:s3], $0xF7A  }
0x26: {  	[smem:$0x3F9E] =	sst s1;
	(tag) =	ssettag s2;
	_ =	strace s9  }
0x27: {  	s1 =	sld [smem:$0x3FAE]  }
0x28: {  	s2 =	sld [smem:$0x3FAF]  }
0x29: {  	s4 =	sld [smem:$0x3FB1]  }
0x2a: {  	p0 =	seq.s32 s5, $0x0;
	s5 =	sld [smem:$0x3FB2]  }
0x2b: {  	s6 =	sld [smem:$0x3FB3]  }
0x2c: {  	s7 =	sld [smem:$0x3FB4]  }
0x2d: {  	s3 =	simm.s32 $0x108;
	s8 =	sld [smem:$0x3FB5]  }
0x2e: {  	s3 =	simm.s32 @!p0 $0x1082;
	s9 =	sld [smem:$0x3FB6]  }
0x2f: {  	lr =	sadd.s32 s0, s3;
	s0 =	sld [smem:$0x3FAD]  }
0x30: {  	s3 =	sld [smem:$0x3FB0]  }
0x31: {  	[smem:$0x3FB9] =	sst s10  }
0x32: {  	s10 =	sld [smem:$0x3FB7];
	_ =	sdelay $0x3  }
0x33: {  	p0 =	seq.s32 s10, $0x1;
	s10 =	sld [smem:$0x3FB9];
	_ =	sdelay $0x3  }
0x34: {  	[smem:$0x3FB9] =	sst s10  }
0x35: {  	s10 =	sld [smem:$0x3FB8];
	_ =	sdelay $0x3  }
0x36: {  	p1 =	seq.s32 s10, $0x1;
	s10 =	sld [smem:$0x3FB9];
	_ =	sdelay $0x3  }
0x37: {  	[smem:$0x3FB9] =	sst s10  }
0x38: {  	s10 =	sld [smem:$0x3FBA]  }
0x39: {  	_ = 	snop;
	(pc) =	sbr.ind lr, $3  }
0x3a: {  	_ = 	snop  }
0x3b: {  	_ = 	snop  }
0x3c: {  	p2 =	seq.s32 s10, $0x1;
	s10 =	sld [smem:$0x3FB9]  }
0x3d: {  	_ =	shalt  }
0x3e: {  	_ =	shalt  }
0x3f: {  	_ =	shalt  }
0x40: {  	_ =	shalt  }
0x41: {  	_ =	shalt  }
0x42: {  	_ =	shalt  }
0x43: {  	_ =	shalt  }
0x44: {  	_ =	shalt  }
0x45: {  	_ =	shalt  }
0x46: {  	_ =	shalt  }
0x47: {  	_ =	shalt  }
0x48: {  	_ =	shalt  }
0x49: {  	_ =	shalt  }
0x4a: {  	_ =	shalt  }
0x4b: {  	_ =	shalt  }
0x4c: {  	_ =	shalt  }
0x4d: {  	_ =	shalt  }
0x4e: {  	_ =	shalt  }
0x4f: {  	_ =	shalt  }
0x50: {  	_ =	shalt  }
0x51: {  	_ =	shalt  }
0x52: {  	_ =	shalt  }
0x53: {  	_ =	shalt  }
0x54: {  	_ =	shalt  }
0x55: {  	_ =	shalt  }
0x56: {  	_ =	shalt  }
0x57: {  	_ =	shalt  }
0x58: {  	_ =	shalt  }
0x59: {  	_ =	shalt  }
0x5a: {  	_ =	shalt  }
0x5b: {  	_ =	shalt  }
0x5c: {  	_ =	shalt  }
0x5d: {  	_ =	shalt  }
0x5e: {  	_ =	shalt  }
0x5f: {  	_ =	shalt  }
0x60: {  	_ =	shalt  }
0x61: {  	_ =	shalt  }
0x62: {  	_ =	shalt  }
0x63: {  	_ =	shalt  }
0x64: {  	_ =	shalt  }
0x65: {  	_ =	shalt  }
0x66: {  	_ =	shalt  }
0x67: {  	_ =	shalt  }
0x68: {  	_ =	shalt  }
0x69: {  	_ =	shalt  }
0x6a: {  	_ =	shalt  }
0x6b: {  	_ =	shalt  }
0x6c: {  	_ =	shalt  }
0x6d: {  	_ =	shalt  }
0x6e: {  	_ =	shalt  }
0x6f: {  	_ =	shalt  }
0x70: {  	_ =	shalt  }
0x71: {  	_ =	shalt  }
0x72: {  	_ =	shalt  }
0x73: {  	_ =	shalt  }
0x74: {  	_ =	shalt  }
0x75: {  	_ =	shalt  }
0x76: {  	_ =	shalt  }
0x77: {  	_ =	shalt  }
0x78: {  	_ =	shalt  }
0x79: {  	_ =	shalt  }
0x7a: {  	_ =	shalt  }
0x7b: {  	_ =	shalt  }
0x7c: {  	_ =	shalt  }
0x7d: {  	_ =	shalt  }
0x7e: {  	_ =	shalt  }
0x7f: {  	_ =	shalt  }
0x80: {  	_ =	shalt  }
0x81: {  	_ =	shalt  }
0x82: {  	_ =	shalt  }
0x83: {  	_ =	shalt  }
0x84: {  	_ =	shalt  }
0x85: {  	_ =	shalt  }
0x86: {  	_ =	shalt  }
0x87: {  	_ =	shalt  }
.Lfunc_end0:
.L_simem_size_0:
called_computation_lowered:
.L_overlay_start_0:
0x88: {  	s0 =	sld [smem:$0x3FD9]  }
0x89: {  	s1 =	sld [smem:$0x3FFE];
	_ =	sdelay $0x3  }
0x8a: {  	s0 =	sadd.s32 s1, s0  }
0x8b: {  	[smem:$0x3FC5] =	sst s0  }
0x8c: {  	_ = 	snop  }
0x8d: {  	s0 =	sld [smem:$0x3FD0];
	_ =	sdelay $0x2  }
0x8e: {  	s13 =	simm.s32 $0xA;
	s2 =	simm.s32 $0x10  }
0x8f: {  	[smem:s2], [sflag:s13] =	dma.local [hbm:s0], $0x1  }
0x90: {  	_ =	swait.eq [sflag:s13], $0x1  }
0x91: {  	[sflag:s13] =	ssyncset.done $0x0  }
0x92: {  	s14 =	sld [smem:$0x10];
	[sflag:s13] =	ssyncadd.s32 $0xFFFFFFFF  }
0x93: {  	s15 =	sld [smem:$0x12];
	(tm) =	ssettm $0x1  }
0x94: {  	s16 =	sld [smem:$0x3FFB];
	_ =	sdelay $0x3  }
0x95: {  	_ =	strace s16  }
0x96: {  	s2 =	sld [smem:$0x3FFC];
	_ =	sdelay $0x3  }
0x97: {  	_ =	strace s2  }
0x98: {  	s2 =	sld [smem:$0x3FFD];
	_ =	sdelay $0x3  }
0x99: {  	_ =	strace s2  }
0x9a: {  	_ =	strace $0x8FFFFFFF  }
0x9b: {  	s17 =	sld [smem:$0x3FDB];
	_ =	sdelay $0x1  }
0x9c: {  	s3 =	simm.s32 $_scs_section_size  }
0x9d: {  	s4 =	simm.s32 $_size__tile_overlayer_lowered;
	s5 =	simm.s32 $_tile_overlayer_lowered  }
0x9e: {  	s20 =	simm.s32 $0x1BFF;
	s19 =	sshll.u32 s5, $0x1;
	s2 =	sadd.s32 s3, s17  }
0x9f: {  	s6 =	simm.s32 $0x0;
	s18 =	sshll.u32 s4, $0x1;
	s4 =	sadd.s32 s19, s2  }
0xa0: {  	[timem:s6], [sflag:s20] =	dma.local [hbm:s4], s18  }
0xa1: {  	_ =	swait.ge [sflag:s20], s18  }
0xa2: {  	s3 =	ssub.s32 $0x0, s18;
	[sflag:s20] =	ssyncset.done $0x0  }
0xa3: {  	[sflag:s20] =	ssyncadd.s32 s3;
	_ =	sdelay $0x1  }
0xa4: {  	s21 =	simm.s32 $0x1B8B  }
0xa5: {  	_ =	swait.ge [sflag:s21], $0x1  }
0xa6: {  	[sflag:s21] =	ssyncset.done $0x0  }
0xa7: {  	s23 =	simm.s32 $0x1B8E;
	s22 =	sld [smem:$0x3FFE];
	[sflag:s21] =	ssyncadd.s32 $0xFFFFFFFF  }
0xa8: {  	s24 =	simm.s32 $execute0_lowered;
	[smem:$0x3FD2] =	sst s23  }
0xa9: {  	s4 =	sshll.u32 s24, $0x1;
	_ =	strace $0x80000046;
	[dreg:$0x1] =	wrdreg $0xFFFFFFFF  }
0xaa: {  	s25 =	simm.s32 $_size_execute0_lowered;
	s2 =	sadd.s32 s2, s4;
	[dreg:$0x0] =	wrdreg $0x0  }
0xab: {  	s4 =	sshll.u32 s25, $0x1;
	[dreg:$0x2] =	wrdreg s2  }
0xac: {  	[dreg:$0x3] =	wrdreg s4  }
0xad: {  	[dreg:$0x4] =	wrdreg $0xC0  }
0xae: {  	_ =	task [dreg:s6], $0x5FFFF  }
0xaf: {  	[dreg:$0x1] =	wrdreg $0xFFFFFFFF  }
0xb0: {  	[dreg:$0x0] =	wrdreg $0x60  }
0xb1: {  	[dreg:$0x2] =	wrdreg s22  }
0xb2: {  	[dreg:$0x3] =	wrdreg s14  }
0xb3: {  	[dreg:$0x4] =	wrdreg s15  }
0xb4: {  	[dreg:$0x5] =	wrdreg $0x27200  }
0xb5: {  	[dreg:$0x6] =	wrdreg $0x9  }
0xb6: {  	_ =	task.clear_ibuf [dreg:s6], $0x7FFFF;
	_ =	strace $0x90000046  }
0xb7: {  	s26 =	simm.s32 $0x9;
	_ =	strace $0x80000048  }
0xb8: {  	_ =	swait.ge [sflag:s26], $0x1  }
0xb9: {  	[sflag:s26] =	ssyncadd.s32 $0xFFFFFFFF  }
0xba: {  	_ =	strace $0x90000048  }
0xbb: {  	_ =	sfence  }
0xbc: {  	s28 =	sld [smem:$0x0];
	_ =	sdelay $0x1  }
0xbd: {  	s29 =	srdreg.scid  }
0xbe: {  	s30 =	sshll.u32 s29, $0xD;
	s31 =	sshrl.u32 s29, $0x2  }
0xbf: {  	s1 =	sand.u32 $0x1, s29;
	s2 =	sand.u32 $0x4000, s30;
	s0 =	sadd.s32 s31, s28  }
0xc0: {  	s1 =	sor.u32 s2, s1;
	s0 =	sshll.u32 s0, $0x11  }
0xc1: {  	s0 =	sor.u32 s0, s1  }
0xc2: {  	s0 =	sadd.s32 $0x8F2B, s0  }
0xc3: {  	[sflag:s0] =	ssyncadd.remote.s32 $0x1  }
0xc4: {  	_ =	sfence.sel $0xFFFF  }
0xc5: {  	[dreg:$0x0] =	wrdreg $0xFFFFFFFF;
	(pc) =	sbr.abs _section_cstart, $3  }
0xc6: {  	[dreg:$0x1] =	wrdreg $0xFFFFFFFF  }
0xc7: {  	_ =	task.clear_ibuf [dreg:s6], $0x2FFFF;
	_ =	strace $0x9FFFFFFF  }
0xc8: {  	(tm) =	ssettm $0x7FFFFFFF  }
0xc9: {  	_ =	shalt  }
tec
execute0_lowered:
.L_overlay_start_1:
0x0: {  	(tag) =	ssettag $0x1  }
0x1: {  	s7 =	rddreg [dreg:$0x0]  }
0x2: {  	s3 =	rddreg [dreg:$0x1]  }
0x3: {  	s1 =	rddreg [dreg:$0x2];
	s5 =	stileid.u32  }
0x4: {  	s2 =	rddreg [dreg:$0x3];
	s6 =	smul.u32 $0x12, s5  }
0x5: {  	s0 =	rddreg [dreg:$0x4];
	s4 =	simm.s32 $0x0  }
0x6: {  	[smem:$0x7FF] =	sst s4;
	s6 =	sadd.s32 s6, s7  }
0x7: {  	s29 =	simm.s32 $0x2;
	_ =	strace $0x80000047;
	s6 =	sadd.s32 $0x1600, s6  }
0x8: {  	[tilespmem:s4], [sflag:$0x2] =	stream.linear.gather [hbm4b:s6+s4], $0x90, $0x38;
	[tilespmem:$0x2740] =	vst v63  }
0x9: {  	_ =	swait.ge [sflag:s29], $0x90  }
0xa: {  	[sflag:s29] =	ssyncset.done $0x0  }
0xb: {  	s30 =	simm.s32 $0x90;
	s8 =	sadd.s32 $0x600, s7;
	[sflag:s29] =	ssyncadd.s32 $0xFFFFFF70  }
0xc: {  	v0 =	vimm.f32 $1.000000000e+00;
	[tilespmem:s30], [sflag:$0x1] =	stream.indirect.gather [hbm4b:s8+s30], $0x40, s4, s30, $0xb8;
	[tilespmem:$0x2740] =	vst v63  }
0xd: {  	[tilespmem:$0x2490] =	vst v0  }
0xe: {  	[tilespmem:$0x24A0] =	vst v0  }
0xf: {  	[tilespmem:$0x24B0] =	vst v0  }
0x10: {  	[tilespmem:$0x24C0] =	vst v0  }
0x11: {  	[tilespmem:$0x24D0] =	vst v0  }
0x12: {  	[tilespmem:$0x24E0] =	vst v0  }
0x13: {  	[tilespmem:$0x24F0] =	vst v0  }
0x14: {  	p0 =	sne.s32 s5, $0x0;
	[tilespmem:$0x2500] =	vst v0  }
0x15: {  	[tilespmem:$0x2510] =	vst v0;
	v0 =	vimm.f32 @!p0 $0.0e+00  }
0x16: {  	[tilespmem:$0x2520] =	vst @!p0 v0  }
0x17: {  	[tilespmem:$0x2530] =	vst @!p0 v0  }
0x18: {  	[tilespmem:$0x2540] =	vst @!p0 v0  }
0x19: {  	[tilespmem:$0x2550] =	vst @!p0 v0  }
0x1a: {  	[tilespmem:$0x2560] =	vst @!p0 v0  }
0x1b: {  	[tilespmem:$0x2570] =	vst @!p0 v0  }
0x1c: {  	[tilespmem:$0x2580] =	vst @!p0 v0  }
0x1d: {  	[tilespmem:$0x2590] =	vst @!p0 v0  }
0x1e: {  	[tilespmem:$0x25A0] =	vst @!p0 v0  }
0x1f: {  	[tilespmem:$0x25B0] =	vst @!p0 v0  }
0x20: {  	[tilespmem:$0x25C0] =	vst @!p0 v0  }
0x21: {  	[tilespmem:$0x25D0] =	vst @!p0 v0  }
0x22: {  	[tilespmem:$0x25E0] =	vst @!p0 v0  }
0x23: {  	[tilespmem:$0x25F0] =	vst @!p0 v0  }
0x24: {  	[tilespmem:$0x2600] =	vst @!p0 v0  }
0x25: {  	[tilespmem:$0x2610] =	vst @!p0 v0  }
0x26: {  	[tilespmem:$0x2620] =	vst @!p0 v0  }
0x27: {  	[tilespmem:$0x2630] =	vst @!p0 v0  }
0x28: {  	[tilespmem:$0x2640] =	vst @!p0 v0  }
0x29: {  	[tilespmem:$0x2650] =	vst @!p0 v0  }
0x2a: {  	[tilespmem:$0x2660] =	vst @!p0 v0  }
0x2b: {  	[tilespmem:$0x2670] =	vst @!p0 v0  }
0x2c: {  	[tilespmem:$0x2680] =	vst @!p0 v0  }
0x2d: {  	[tilespmem:$0x2690] =	vst @!p0 v0  }
0x2e: {  	[tilespmem:$0x26A0] =	vst @!p0 v0  }
0x2f: {  	[tilespmem:$0x26B0] =	vst @!p0 v0  }
0x30: {  	[tilespmem:$0x26C0] =	vst @!p0 v0  }
0x31: {  	[tilespmem:$0x26D0] =	vst @!p0 v0  }
0x32: {  	[tilespmem:$0x26E0] =	vst @!p0 v0  }
0x33: {  	[tilespmem:$0x26F0] =	vst @!p0 v0  }
0x34: {  	[tilespmem:$0x2700] =	vst @!p0 v0  }
0x35: {  	s8 =	simm.s32 @!p0 $0x2520;
	[tilespmem:$0x2710] =	vst @!p0 v0  }
0x36: {  	[spmem:s2] =	stream.linear.scatter @!p0 [tilespmem:s8], [sflag:$0x2], $0x200, $0x38;
	[tilespmem:$0x2740] =	vst v63  }
0x37: {  	s8 =	simm.s32 @!p0 $0x2  }
0x38: {  	_ =	swait.ge @!p0 [sflag:s8], $0x200  }
0x39: {  	[sflag:s8] =	ssyncset.done @!p0 $0x0  }
0x3a: {  	[sflag:s8] =	ssyncadd.s32 @!p0 $0xFFFFFE00  }
0x3b: {  	s9 =	simm.s32 $0x2490;
	[bflag:$0x0] =	sbarrier.arrive $0xFFFF  }
0x3c: {  	[spmem:s2] =	stream.indirect.scatter.add.f32 [tilespmem:s9], [sflag:$0x2], $0x1, s4, s30, $0xb8;
	[tilespmem:$0x2740] =	vst v63  }
0x3d: {  	_ =	swait.ge [sflag:s29], $0x90  }
0x3e: {  	[sflag:s29] =	ssyncset.done $0x0  }
0x3f: {  	s31 =	simm.s32 $0x1;
	[sflag:s29] =	ssyncadd.s32 $0xFFFFFF70  }
0x40: {  	s5 =	smul.u32 $0x480, s5;
	_ =	swait.ge [sflag:s31], $0x2400  }
0x41: {  	[sflag:s31] =	ssyncset.done $0x0  }
0x42: {  	s3 =	sadd.s32 s3, s5;
	[sflag:s31] =	ssyncadd.s32 $0xFFFFDC00  }
0x43: {  	[hbm4b:s3+s4] =	stream.linear.scatter [tilespmem:s30], [sflag:$0x2], $0x2400, $0x38;
	[tilespmem:$0x2740] =	vst v63  }
0x44: {  	_ =	swait.ge [sflag:s29], $0x2400  }
0x45: {  	[sflag:s29] =	ssyncset.done $0x0  }
0x46: {  	[sflag:s29] =	ssyncadd.s32 $0xFFFFDC00  }
0x47: {  	[bflag:$0x0] =	sbarrier.arrive $0xFFFF  }
0x48: {  	_ =	sfence.sel @p0 $0x180000  }
0x49: {  	[bflag:$0x0] =	sbarrier.arrive @p0 $0xFFFF  }
0x4a: {  	_ =	strace @p0 $0x90000047  }
0x4b: {  	s2 =	sshrl.u32 @!p0 s2, $0x3;
	s3 =	simm.s32 @!p0 $0x1C02;
	[bflag:$0x2] =	sbarrier.arrive @p0 $0xFFFF  }
0x4c: {  	[hbm:s1], [sflag:s3] =	dma.local @!p0 [spmem:s2], $0x40  }
0x4d: {  	_ =	swait.ge @!p0 [sflag:s8], $0x40  }
0x4e: {  	[sflag:s8] =	ssyncset.done @!p0 $0x0  }
0x4f: {  	[sflag:s8] =	ssyncadd.s32 @!p0 $0xFFFFFFC0  }
0x50: {  	_ =	sfence.sel @!p0 $0x180000  }
0x51: {  	[bflag:$0x0] =	sbarrier.arrive @!p0 $0xFFFF  }
0x52: {  	_ =	strace @!p0 $0x90000047  }
0x53: {  	s0 =	sadd.s32 @!p0 $0x100000, s0;
	[bflag:$0x2] =	sbarrier.arrive @!p0 $0xFFFF  }
0x54: {  	[sflag:s0] =	ssyncadd.tile.s32 @!p0 $0x1;
	_ =	shalt  }
.Lfunc_end2:
_tile_overlayer_lowered:
.L_overlay_start_2:
0x55: {  	(tag) =	ssettag $0x2  }
0x56: {  	s0 =	rddreg [dreg:$0x0];
	s2 =	stileid.u32  }
0x57: {  	s1 =	rddreg [dreg:$0x1];
	p0 =	sne.s32 s2, $0x0  }
0x58: {  	s3 =	rddreg [dreg:$0x2];
	[bflag:$0x3] =	sbarrier.arrive $0xFFFF;
	s2 =	simm.s32 @!p0 $0x1C02  }
0x59: {  	[timem:s3], [sflag:s2] =	dma.local @!p0 [hbm:s0], s1  }
0x5a: {  	s0 =	simm.s32 @!p0 $0x2  }
0x5b: {  	_ =	swait.ge @!p0 [sflag:s0], s1  }
0x5c: {  	s1 =	ssub.s32 @!p0 $0x0, s1;
	[sflag:s0] =	ssyncset.done @!p0 $0x0  }
0x5d: {  	[sflag:s0] =	ssyncadd.s32 @!p0 s1  }
0x5e: {  	[bflag:$0x3] =	sbarrier.arrive $0xFFFF  }
0x5f: {  	_ =	shalt  }

</sc_bundles>
